<compile_context>
chip_gen: v7x
topology: tpu7x:2x2x1
jax: 0.10.2.dev20260603
libtpu: 0.0.44.dev20260713+nightly
codegen_flags: <defaults>
</compile_context>

<pallas_src>
import functools

import jax
import jax.numpy as jnp
from jax import lax
from jax.experimental import pallas as pl
from jax.experimental.pallas import tpu as pltpu
from jax.experimental.pallas import tpu_sc as plsc

_NC = 2
_NS = 16
_NW = _NC * _NS
_IDX_CHUNK = 128


def _sc_gather_rows(idx2d, table):
    bsz, s = idx2d.shape
    n = bsz * s
    v, e = table.shape
    assert n % (_NW * _IDX_CHUNK) == 0 and s % (n // _NW) == 0
    rpw = n // _NW
    nchunks = rpw // _IDX_CHUNK
    wpb = s // rpw

    mesh = plsc.VectorSubcoreMesh(core_axis_name="c", subcore_axis_name="s")

    @functools.partial(
        pl.kernel,
        out_type=jax.ShapeDtypeStruct((n, e), jnp.float32),
        mesh=mesh,
        scratch_types=[
            pltpu.VMEM((rpw,), jnp.int32),
            pltpu.VMEM((rpw, e), jnp.float32),
            pltpu.SemaphoreType.DMA,
            pltpu.SemaphoreType.DMA,
            pltpu.SemaphoreType.DMA,
        ],
    )
    def gather_kernel(idx_hbm, table_hbm, out_hbm, idx_v, rows_v,
                      isem, gsem, osem):
        wid = lax.axis_index("s") * _NC + lax.axis_index("c")
        base = wid * rpw
        bi = lax.div(wid, wpb)
        off = lax.rem(wid, wpb) * rpw
        icopies = [
            pltpu.async_copy(
                idx_hbm.at[bi, pl.ds(off + j * _IDX_CHUNK, _IDX_CHUNK)],
                idx_v.at[pl.ds(j * _IDX_CHUNK, _IDX_CHUNK)],
                isem,
            )
            for j in range(nchunks)
        ]
        gcopies = []
        for j in range(nchunks):
            icopies[j].wait()
            gcopies.append(pltpu.async_copy(
                table_hbm.at[idx_v.at[pl.ds(j * _IDX_CHUNK, _IDX_CHUNK)]],
                rows_v.at[pl.ds(j * _IDX_CHUNK, _IDX_CHUNK)],
                gsem,
            ))
        ocopies = []
        for j in range(nchunks):
            gcopies[j].wait()
            ocopies.append(pltpu.async_copy(
                rows_v.at[pl.ds(j * _IDX_CHUNK, _IDX_CHUNK)],
                out_hbm.at[pl.ds(base + j * _IDX_CHUNK, _IDX_CHUNK)],
                osem,
            ))
        for cp in ocopies:
            cp.wait()

    return gather_kernel(idx2d, table)


def _tc_body(sb, tok_ref, pos_ref, segf_ref, seg_emb_ref, w_ref, b_ref,
             gamma_ref, beta_ref, out_ref):
    j = pl.program_id(1)
    se = seg_emb_ref[...]
    m_lane = segf_ref[0, 0].astype(jnp.float32)
    m = lax.broadcast_in_dim(m_lane, (sb, 1), (0,))
    seg = se[0:1, :] + m * (se[1:2, :] - se[0:1, :])
    pos = pos_ref[pl.ds(j * sb, sb), :]
    emb = tok_ref[0] + pos + seg
    h = jnp.dot(emb, w_ref[...], preferred_element_type=jnp.float32)
    h = h + b_ref[...]
    mean = jnp.mean(h, axis=1, keepdims=True)
    c = h - mean
    var = jnp.mean(c * c, axis=1, keepdims=True)
    out = c * lax.rsqrt(var + 1e-5) * gamma_ref[...] + beta_ref[...]
    out_ref[0] = out


def _tc_proj_ln(tok, pos_emb, segf, segment_emb, W, b, gamma, beta, sb=512):
    bsz, s, e = tok.shape
    h = W.shape[1]
    grid = (bsz, s // sb)
    return pl.pallas_call(
        functools.partial(_tc_body, sb),
        grid=grid,
        in_specs=[
            pl.BlockSpec((1, sb, e), lambda i, j: (i, j, 0)),
            pl.BlockSpec((s, e), lambda i, j: (0, 0)),
            pl.BlockSpec((1, 1, sb), lambda i, j: (i, 0, j)),
            pl.BlockSpec((2, e), lambda i, j: (0, 0)),
            pl.BlockSpec((e, h), lambda i, j: (0, 0)),
            pl.BlockSpec((1, h), lambda i, j: (0, 0)),
            pl.BlockSpec((1, h), lambda i, j: (0, 0)),
            pl.BlockSpec((1, h), lambda i, j: (0, 0)),
        ],
        out_specs=pl.BlockSpec((1, sb, h), lambda i, j: (i, j, 0)),
        out_shape=jax.ShapeDtypeStruct((bsz, s, h), jnp.float32),
    )(tok, pos_emb, segf, segment_emb, W, b, gamma, beta)


def kernel(x, segment_ids, token_emb, pos_emb, segment_emb, W, b, gamma, beta):
    bsz, s = x.shape
    v, e = token_emb.shape
    h = W.shape[1]
    tok = _sc_gather_rows(x.astype(jnp.int32), token_emb).reshape(bsz, s, e)
    segf = segment_ids.astype(jnp.int32).reshape(bsz, 1, s)
    out = _tc_proj_ln(tok, pos_emb, segf, segment_emb, W,
                      b.reshape(1, h), gamma.reshape(1, h), beta.reshape(1, h),
                      sb=2048)
    return out

# --- scband reference (transcript-rebuilt; emitter-appended) ---
"""Pipeline reference for scband-albertembedding-33998961115882 (READ-ONLY COPY).

The authoritative reference and input builder live on the scoring server;
editing this copy changes nothing except your own understanding.
"""

import jax, jax.numpy as jnp
import numpy as np

VOCAB = 100000
EMBED = 128
HIDDEN = 1024
SEQ = 2048
BATCH = 4

def setup_inputs(seed: int = 0) -> dict:
    key = jax.random.key(seed)
    ks = jax.random.split(key, 10)
    x = jax.random.randint(ks[0], (BATCH, SEQ), 0, VOCAB, dtype=jnp.int64 if jax.config.jax_enable_x64 else jnp.int32)
    segment_ids = jax.random.randint(ks[1], (BATCH, SEQ), 0, 2, dtype=jnp.int64 if jax.config.jax_enable_x64 else jnp.int32)
    token_emb = jax.random.normal(ks[2], (VOCAB, EMBED), dtype=jnp.float32) * 0.02
    pos_emb = jax.random.normal(ks[3], (SEQ, EMBED), dtype=jnp.float32) * 0.02
    segment_emb = jax.random.normal(ks[4], (2, EMBED), dtype=jnp.float32) * 0.02
    W = jax.random.normal(ks[5], (EMBED, HIDDEN), dtype=jnp.float32) * (1.0 / np.sqrt(EMBED))
    b = jnp.zeros((HIDDEN,), dtype=jnp.float32)
    gamma = jnp.ones((HIDDEN,), dtype=jnp.float32)
    beta = jnp.zeros((HIDDEN,), dtype=jnp.float32)
    return {"x": x, "segment_ids": segment_ids, "token_emb": token_emb, "pos_emb": pos_emb,
            "segment_emb": segment_emb, "W": W, "b": b, "gamma": gamma, "beta": beta}

def _layernorm(h, gamma, beta, eps=1e-5):
    mean = jnp.mean(h, axis=-1, keepdims=True)
    var = jnp.mean(jnp.square(h - mean), axis=-1, keepdims=True)
    return (h - mean) / jnp.sqrt(var + eps) * gamma + beta

def reference(x, segment_ids, token_emb, pos_emb, segment_emb, W, b, gamma, beta):
    # gather embeddings (SparseCore-friendly gathers)
    tok = jnp.take(token_emb, x, axis=0)                       # [B, S, E]
    pos = jnp.take(pos_emb, jnp.arange(x.shape[1]), axis=0)[None, :, :]  # [1, S, E]
    seg = jnp.take(segment_emb, segment_ids, axis=0)           # [B, S, E]
    emb = tok + pos + seg
    h = jnp.einsum('bse,eh->bsh', emb, W) + b                  # projection to hidden
    out = _layernorm(h, gamma, beta)
    # dropout is identity in eval mode
    return out

if __name__ == "__main__":
    import jax
    _d = setup_inputs()
    print(jax.jit(kernel)(*tuple(_d.values())))

</pallas_src>

<mosaic_0001>
#map = affine_map<(d0, d1) -> (0, 0)>
module attributes {stable_mosaic.version = 14 : i64} {
  func.func @gather_kernel(%arg0: i32, %arg1: i32, %arg2: memref<4x2048xi32, #tpu.memory_space<hbm>>, %arg3: memref<100000x128xf32, #tpu.memory_space<hbm>>, %arg4: memref<8192x128xf32, #tpu.memory_space<hbm>>, %arg5: memref<256xi32, #tpu.memory_space<vmem>>, %arg6: memref<256x128xf32, #tpu.memory_space<vmem>>, %arg7: memref<!tpu.dma_semaphore, #tpu.memory_space<semaphore_mem>>, %arg8: memref<!tpu.dma_semaphore, #tpu.memory_space<semaphore_mem>>, %arg9: memref<!tpu.dma_semaphore, #tpu.memory_space<semaphore_mem>>) attributes {dimension_semantics = [#tpu.dimension_semantics<core_parallel>, #tpu.dimension_semantics<subcore_parallel>], iteration_bounds = array<i64: 2, 16>, scalar_prefetch = 0 : i64, scratch_operands = 5 : i64, tpu.core_type = #tpu.core_type<sc_vector_subcore>, window_params = [{transform_indices = #map}, {transform_indices = #map}, {transform_indices = #map}]} {
    %mul3A = arith.constant 2 : i32
    %mul3A_0 = arith.muli %arg1, %mul3A : i32
    %add3A = arith.addi %mul3A_0, %arg0 : i32
    %mul3A_1 = arith.constant 256 : i32
    %mul3A_2 = arith.muli %add3A, %mul3A_1 : i32
    %div3A = arith.constant 8 : i32
    %div3A_3 = arith.divsi %add3A, %div3A : i32
    %rem3A = arith.constant 8 : i32
    %rem3A_4 = arith.remsi %add3A, %rem3A : i32
    %mul3A_5 = arith.constant 256 : i32
    %mul3A_6 = arith.muli %rem3A_4, %mul3A_5 : i32
    %add3A_7 = arith.constant 0 : i32
    %add3A_8 = arith.addi %mul3A_6, %add3A_7 : i32
    %dma_start3A = arith.constant 0 : i32
    %dma_start3A_9 = tpu.memref_slice %arg5[%dma_start3A] : memref<256xi32, #tpu.memory_space<vmem>> -> memref<128xi32, #tpu.memory_space<vmem>>
    %dma_start3A_10 = tpu.memref_slice %arg2[%div3A_3, %add3A_8] : memref<4x2048xi32, #tpu.memory_space<hbm>> -> memref<1x128xi32, #tpu.memory_space<hbm>>
    %dma_start3A_11 = tpu.memref_squeeze %dma_start3A_10 : memref<1x128xi32, #tpu.memory_space<hbm>> -> memref<128xi32, #tpu.memory_space<hbm>>
    %dma_start3A_12 = arith.constant 0 : i32
    %dma_start3A_13 = tpu.memref_slice %arg5[%dma_start3A_12] : memref<256xi32, #tpu.memory_space<vmem>> -> memref<128xi32, #tpu.memory_space<vmem>>
    %dma_start3A_14 = tpu.memref_slice %arg2[%div3A_3, %add3A_8] : memref<4x2048xi32, #tpu.memory_space<hbm>> -> memref<1x128xi32, #tpu.memory_space<hbm>>
    %dma_start3A_15 = tpu.memref_squeeze %dma_start3A_14 : memref<1x128xi32, #tpu.memory_space<hbm>> -> memref<128xi32, #tpu.memory_space<hbm>>
    tpu.enqueue_dma source(%dma_start3A_15 : memref<128xi32, #tpu.memory_space<hbm>>) target(%dma_start3A_13 : memref<128xi32, #tpu.memory_space<vmem>>) target_semaphore(%arg7 : memref<!tpu.dma_semaphore, #tpu.memory_space<semaphore_mem>>)
    %add3A_16 = arith.constant 128 : i32
    %add3A_17 = arith.addi %mul3A_6, %add3A_16 : i32
    %dma_start3A_18 = arith.constant 128 : i32
    %dma_start3A_19 = tpu.memref_slice %arg5[%dma_start3A_18] : memref<256xi32, #tpu.memory_space<vmem>> -> memref<128xi32, #tpu.memory_space<vmem>>
    %dma_start3A_20 = tpu.memref_slice %arg2[%div3A_3, %add3A_17] : memref<4x2048xi32, #tpu.memory_space<hbm>> -> memref<1x128xi32, #tpu.memory_space<hbm>>
    %dma_start3A_21 = tpu.memref_squeeze %dma_start3A_20 : memref<1x128xi32, #tpu.memory_space<hbm>> -> memref<128xi32, #tpu.memory_space<hbm>>
    %dma_start3A_22 = arith.constant 128 : i32
    %dma_start3A_23 = tpu.memref_slice %arg5[%dma_start3A_22] : memref<256xi32, #tpu.memory_space<vmem>> -> memref<128xi32, #tpu.memory_space<vmem>>
    %dma_start3A_24 = tpu.memref_slice %arg2[%div3A_3, %add3A_17] : memref<4x2048xi32, #tpu.memory_space<hbm>> -> memref<1x128xi32, #tpu.memory_space<hbm>>
    %dma_start3A_25 = tpu.memref_squeeze %dma_start3A_24 : memref<1x128xi32, #tpu.memory_space<hbm>> -> memref<128xi32, #tpu.memory_space<hbm>>
    tpu.enqueue_dma source(%dma_start3A_25 : memref<128xi32, #tpu.memory_space<hbm>>) target(%dma_start3A_23 : memref<128xi32, #tpu.memory_space<vmem>>) target_semaphore(%arg7 : memref<!tpu.dma_semaphore, #tpu.memory_space<semaphore_mem>>)
    %dma_wait3A = arith.constant 0 : i32
    %dma_wait3A_26 = tpu.memref_slice %arg5[%dma_wait3A] : memref<256xi32, #tpu.memory_space<vmem>> -> memref<128xi32, #tpu.memory_space<vmem>>
    %dma_wait3A_27 = tpu.memref_slice %arg2[%div3A_3, %add3A_8] : memref<4x2048xi32, #tpu.memory_space<hbm>> -> memref<1x128xi32, #tpu.memory_space<hbm>>
    %dma_wait3A_28 = tpu.memref_squeeze %dma_wait3A_27 : memref<1x128xi32, #tpu.memory_space<hbm>> -> memref<128xi32, #tpu.memory_space<hbm>>
    %dma_wait3A_29 = arith.constant 0 : i32
    %dma_wait3A_30 = tpu.memref_slice %arg5[%dma_wait3A_29] : memref<256xi32, #tpu.memory_space<vmem>> -> memref<128xi32, #tpu.memory_space<vmem>>
    %dma_wait3A_31 = tpu.memref_slice %arg2[%div3A_3, %add3A_8] : memref<4x2048xi32, #tpu.memory_space<hbm>> -> memref<1x128xi32, #tpu.memory_space<hbm>>
    %dma_wait3A_32 = tpu.memref_squeeze %dma_wait3A_31 : memref<1x128xi32, #tpu.memory_space<hbm>> -> memref<128xi32, #tpu.memory_space<hbm>>
    tpu.wait_dma2 semaphore(%arg7 : memref<!tpu.dma_semaphore, #tpu.memory_space<semaphore_mem>>) src(%dma_wait3A_32 : memref<128xi32, #tpu.memory_space<hbm>>) dst(%dma_wait3A_30 : memref<128xi32, #tpu.memory_space<vmem>>)
    %dma_start3A_33 = arith.constant 0 : i32
    %dma_start3A_34 = arith.constant 0 : i32
    %dma_start3A_35 = tpu.memref_slice %arg6[%dma_start3A_33, %dma_start3A_34] : memref<256x128xf32, #tpu.memory_space<vmem>> -> memref<128x128xf32, #tpu.memory_space<vmem>>
    %dma_start3A_36 = arith.constant 0 : i32
    %dma_start3A_37 = tpu.memref_slice %arg5[%dma_start3A_36] : memref<256xi32, #tpu.memory_space<vmem>> -> memref<128xi32, #tpu.memory_space<vmem>>
    %dma_start3A_38 = arith.constant 0 : i32
    %dma_start3A_39 = arith.constant 0 : i32
    %dma_start3A_40 = tpu.memref_slice %arg3[%dma_start3A_38, %dma_start3A_39] : memref<100000x128xf32, #tpu.memory_space<hbm>> -> memref<100000x128xf32, #tpu.memory_space<hbm>>
    tpu.enqueue_indirect_dma source(%dma_start3A_40 : memref<100000x128xf32, #tpu.memory_space<hbm>>) target(%dma_start3A_35 : memref<128x128xf32, #tpu.memory_space<vmem>>) offsets(%dma_start3A_37 : memref<128xi32, #tpu.memory_space<vmem>>) semaphore(%arg8 : memref<!tpu.dma_semaphore, #tpu.memory_space<semaphore_mem>>)
    %dma_wait3A_41 = arith.constant 128 : i32
    %dma_wait3A_42 = tpu.memref_slice %arg5[%dma_wait3A_41] : memref<256xi32, #tpu.memory_space<vmem>> -> memref<128xi32, #tpu.memory_space<vmem>>
    %dma_wait3A_43 = tpu.memref_slice %arg2[%div3A_3, %add3A_17] : memref<4x2048xi32, #tpu.memory_space<hbm>> -> memref<1x128xi32, #tpu.memory_space<hbm>>
    %dma_wait3A_44 = tpu.memref_squeeze %dma_wait3A_43 : memref<1x128xi32, #tpu.memory_space<hbm>> -> memref<128xi32, #tpu.memory_space<hbm>>
    %dma_wait3A_45 = arith.constant 128 : i32
    %dma_wait3A_46 = tpu.memref_slice %arg5[%dma_wait3A_45] : memref<256xi32, #tpu.memory_space<vmem>> -> memref<128xi32, #tpu.memory_space<vmem>>
    %dma_wait3A_47 = tpu.memref_slice %arg2[%div3A_3, %add3A_17] : memref<4x2048xi32, #tpu.memory_space<hbm>> -> memref<1x128xi32, #tpu.memory_space<hbm>>
    %dma_wait3A_48 = tpu.memref_squeeze %dma_wait3A_47 : memref<1x128xi32, #tpu.memory_space<hbm>> -> memref<128xi32, #tpu.memory_space<hbm>>
    tpu.wait_dma2 semaphore(%arg7 : memref<!tpu.dma_semaphore, #tpu.memory_space<semaphore_mem>>) src(%dma_wait3A_48 : memref<128xi32, #tpu.memory_space<hbm>>) dst(%dma_wait3A_46 : memref<128xi32, #tpu.memory_space<vmem>>)
    %dma_start3A_49 = arith.constant 128 : i32
    %dma_start3A_50 = arith.constant 0 : i32
    %dma_start3A_51 = tpu.memref_slice %arg6[%dma_start3A_49, %dma_start3A_50] : memref<256x128xf32, #tpu.memory_space<vmem>> -> memref<128x128xf32, #tpu.memory_space<vmem>>
    %dma_start3A_52 = arith.constant 128 : i32
    %dma_start3A_53 = tpu.memref_slice %arg5[%dma_start3A_52] : memref<256xi32, #tpu.memory_space<vmem>> -> memref<128xi32, #tpu.memory_space<vmem>>
    %dma_start3A_54 = arith.constant 0 : i32
    %dma_start3A_55 = arith.constant 0 : i32
    %dma_start3A_56 = tpu.memref_slice %arg3[%dma_start3A_54, %dma_start3A_55] : memref<100000x128xf32, #tpu.memory_space<hbm>> -> memref<100000x128xf32, #tpu.memory_space<hbm>>
    tpu.enqueue_indirect_dma source(%dma_start3A_56 : memref<100000x128xf32, #tpu.memory_space<hbm>>) target(%dma_start3A_51 : memref<128x128xf32, #tpu.memory_space<vmem>>) offsets(%dma_start3A_53 : memref<128xi32, #tpu.memory_space<vmem>>) semaphore(%arg8 : memref<!tpu.dma_semaphore, #tpu.memory_space<semaphore_mem>>)
    %dma_wait3A_57 = arith.constant 0 : i32
    %dma_wait3A_58 = arith.constant 0 : i32
    %dma_wait3A_59 = tpu.memref_slice %arg6[%dma_wait3A_57, %dma_wait3A_58] : memref<256x128xf32, #tpu.memory_space<vmem>> -> memref<128x128xf32, #tpu.memory_space<vmem>>
    %dma_wait3A_60 = arith.constant 0 : i32
    %dma_wait3A_61 = tpu.memref_slice %arg5[%dma_wait3A_60] : memref<256xi32, #tpu.memory_space<vmem>> -> memref<128xi32, #tpu.memory_space<vmem>>
    %dma_wait3A_62 = arith.constant 0 : i32
    %dma_wait3A_63 = arith.constant 0 : i32
    %dma_wait3A_64 = tpu.memref_slice %arg3[%dma_wait3A_62, %dma_wait3A_63] : memref<100000x128xf32, #tpu.memory_space<hbm>> -> memref<100000x128xf32, #tpu.memory_space<hbm>>
    tpu.wait_indirect_dma semaphore(%arg8 : memref<!tpu.dma_semaphore, #tpu.memory_space<semaphore_mem>>) src(%dma_wait3A_64 : memref<100000x128xf32, #tpu.memory_space<hbm>>) dst(%dma_wait3A_59 : memref<128x128xf32, #tpu.memory_space<vmem>>)
    %add3A_65 = arith.constant 0 : i32
    %add3A_66 = arith.addi %mul3A_2, %add3A_65 : i32
    %dma_start3A_67 = arith.constant 0 : i32
    %dma_start3A_68 = arith.constant 0 : i32
    %dma_start3A_69 = tpu.memref_slice %arg6[%dma_start3A_67, %dma_start3A_68] : memref<256x128xf32, #tpu.memory_space<vmem>> -> memref<128x128xf32, #tpu.memory_space<vmem>>
    %dma_start3A_70 = arith.constant 0 : i32
    %dma_start3A_71 = tpu.memref_slice %arg4[%add3A_66, %dma_start3A_70] : memref<8192x128xf32, #tpu.memory_space<hbm>> -> memref<128x128xf32, #tpu.memory_space<hbm>>
    %dma_start3A_72 = arith.constant 0 : i32
    %dma_start3A_73 = tpu.memref_slice %arg4[%add3A_66, %dma_start3A_72] : memref<8192x128xf32, #tpu.memory_space<hbm>> -> memref<128x128xf32, #tpu.memory_space<hbm>>
    %dma_start3A_74 = arith.constant 0 : i32
    %dma_start3A_75 = arith.constant 0 : i32
    %dma_start3A_76 = tpu.memref_slice %arg6[%dma_start3A_74, %dma_start3A_75] : memref<256x128xf32, #tpu.memory_space<vmem>> -> memref<128x128xf32, #tpu.memory_space<vmem>>
    tpu.enqueue_dma source(%dma_start3A_76 : memref<128x128xf32, #tpu.memory_space<vmem>>) target(%dma_start3A_73 : memref<128x128xf32, #tpu.memory_space<hbm>>) target_semaphore(%arg9 : memref<!tpu.dma_semaphore, #tpu.memory_space<semaphore_mem>>)
    %dma_wait3A_77 = arith.constant 128 : i32
    %dma_wait3A_78 = arith.constant 0 : i32
    %dma_wait3A_79 = tpu.memref_slice %arg6[%dma_wait3A_77, %dma_wait3A_78] : memref<256x128xf32, #tpu.memory_space<vmem>> -> memref<128x128xf32, #tpu.memory_space<vmem>>
    %dma_wait3A_80 = arith.constant 128 : i32
    %dma_wait3A_81 = tpu.memref_slice %arg5[%dma_wait3A_80] : memref<256xi32, #tpu.memory_space<vmem>> -> memref<128xi32, #tpu.memory_space<vmem>>
    %dma_wait3A_82 = arith.constant 0 : i32
    %dma_wait3A_83 = arith.constant 0 : i32
    %dma_wait3A_84 = tpu.memref_slice %arg3[%dma_wait3A_82, %dma_wait3A_83] : memref<100000x128xf32, #tpu.memory_space<hbm>> -> memref<100000x128xf32, #tpu.memory_space<hbm>>
    tpu.wait_indirect_dma semaphore(%arg8 : memref<!tpu.dma_semaphore, #tpu.memory_space<semaphore_mem>>) src(%dma_wait3A_84 : memref<100000x128xf32, #tpu.memory_space<hbm>>) dst(%dma_wait3A_79 : memref<128x128xf32, #tpu.memory_space<vmem>>)
    %add3A_85 = arith.constant 128 : i32
    %add3A_86 = arith.addi %mul3A_2, %add3A_85 : i32
    %dma_start3A_87 = arith.constant 128 : i32
    %dma_start3A_88 = arith.constant 0 : i32
    %dma_start3A_89 = tpu.memref_slice %arg6[%dma_start3A_87, %dma_start3A_88] : memref<256x128xf32, #tpu.memory_space<vmem>> -> memref<128x128xf32, #tpu.memory_space<vmem>>
    %dma_start3A_90 = arith.constant 0 : i32
    %dma_start3A_91 = tpu.memref_slice %arg4[%add3A_86, %dma_start3A_90] : memref<8192x128xf32, #tpu.memory_space<hbm>> -> memref<128x128xf32, #tpu.memory_space<hbm>>
    %dma_start3A_92 = arith.constant 0 : i32
    %dma_start3A_93 = tpu.memref_slice %arg4[%add3A_86, %dma_start3A_92] : memref<8192x128xf32, #tpu.memory_space<hbm>> -> memref<128x128xf32, #tpu.memory_space<hbm>>
    %dma_start3A_94 = arith.constant 128 : i32
    %dma_start3A_95 = arith.constant 0 : i32
    %dma_start3A_96 = tpu.memref_slice %arg6[%dma_start3A_94, %dma_start3A_95] : memref<256x128xf32, #tpu.memory_space<vmem>> -> memref<128x128xf32, #tpu.memory_space<vmem>>
    tpu.enqueue_dma source(%dma_start3A_96 : memref<128x128xf32, #tpu.memory_space<vmem>>) target(%dma_start3A_93 : memref<128x128xf32, #tpu.memory_space<hbm>>) target_semaphore(%arg9 : memref<!tpu.dma_semaphore, #tpu.memory_space<semaphore_mem>>)
    %dma_wait3A_97 = arith.constant 0 : i32
    %dma_wait3A_98 = arith.constant 0 : i32
    %dma_wait3A_99 = tpu.memref_slice %arg6[%dma_wait3A_97, %dma_wait3A_98] : memref<256x128xf32, #tpu.memory_space<vmem>> -> memref<128x128xf32, #tpu.memory_space<vmem>>
    %dma_wait3A_100 = arith.constant 0 : i32
    %dma_wait3A_101 = tpu.memref_slice %arg4[%add3A_66, %dma_wait3A_100] : memref<8192x128xf32, #tpu.memory_space<hbm>> -> memref<128x128xf32, #tpu.memory_space<hbm>>
    %dma_wait3A_102 = arith.constant 0 : i32
    %dma_wait3A_103 = tpu.memref_slice %arg4[%add3A_66, %dma_wait3A_102] : memref<8192x128xf32, #tpu.memory_space<hbm>> -> memref<128x128xf32, #tpu.memory_space<hbm>>
    %dma_wait3A_104 = arith.constant 0 : i32
    %dma_wait3A_105 = arith.constant 0 : i32
    %dma_wait3A_106 = tpu.memref_slice %arg6[%dma_wait3A_104, %dma_wait3A_105] : memref<256x128xf32, #tpu.memory_space<vmem>> -> memref<128x128xf32, #tpu.memory_space<vmem>>
    tpu.wait_dma2 semaphore(%arg9 : memref<!tpu.dma_semaphore, #tpu.memory_space<semaphore_mem>>) src(%dma_wait3A_106 : memref<128x128xf32, #tpu.memory_space<vmem>>) dst(%dma_wait3A_103 : memref<128x128xf32, #tpu.memory_space<hbm>>)
    %dma_wait3A_107 = arith.constant 128 : i32
    %dma_wait3A_108 = arith.constant 0 : i32
    %dma_wait3A_109 = tpu.memref_slice %arg6[%dma_wait3A_107, %dma_wait3A_108] : memref<256x128xf32, #tpu.memory_space<vmem>> -> memref<128x128xf32, #tpu.memory_space<vmem>>
    %dma_wait3A_110 = arith.constant 0 : i32
    %dma_wait3A_111 = tpu.memref_slice %arg4[%add3A_86, %dma_wait3A_110] : memref<8192x128xf32, #tpu.memory_space<hbm>> -> memref<128x128xf32, #tpu.memory_space<hbm>>
    %dma_wait3A_112 = arith.constant 0 : i32
    %dma_wait3A_113 = tpu.memref_slice %arg4[%add3A_86, %dma_wait3A_112] : memref<8192x128xf32, #tpu.memory_space<hbm>> -> memref<128x128xf32, #tpu.memory_space<hbm>>
    %dma_wait3A_114 = arith.constant 128 : i32
    %dma_wait3A_115 = arith.constant 0 : i32
    %dma_wait3A_116 = tpu.memref_slice %arg6[%dma_wait3A_114, %dma_wait3A_115] : memref<256x128xf32, #tpu.memory_space<vmem>> -> memref<128x128xf32, #tpu.memory_space<vmem>>
    tpu.wait_dma2 semaphore(%arg9 : memref<!tpu.dma_semaphore, #tpu.memory_space<semaphore_mem>>) src(%dma_wait3A_116 : memref<128x128xf32, #tpu.memory_space<vmem>>) dst(%dma_wait3A_113 : memref<128x128xf32, #tpu.memory_space<hbm>>)
    return
  }
}

module attributes {stable_mosaic.version = 14 : i64} {
  func.func @_tc_body(%arg0: i32, %arg1: i32, %arg2: memref<1x2048x128xf32, #tpu.memory_space<vmem>>, %arg3: memref<2048x128xf32, #tpu.memory_space<vmem>>, %arg4: memref<1x1x2048xi32, #tpu.memory_space<vmem>>, %arg5: memref<2x128xf32, #tpu.memory_space<vmem>>, %arg6: memref<128x1024xf32, #tpu.memory_space<vmem>>, %arg7: memref<1x1024xf32, #tpu.memory_space<vmem>>, %arg8: memref<1x1024xf32, #tpu.memory_space<vmem>>, %arg9: memref<1x1024xf32, #tpu.memory_space<vmem>>, %arg10: memref<1x2048x1024xf32, #tpu.memory_space<vmem>>) attributes {dimension_semantics = [#tpu.dimension_semantics<arbitrary>, #tpu.dimension_semantics<arbitrary>], iteration_bounds = array<i64: 4, 1>, scalar_prefetch = 0 : i64, scratch_operands = 0 : i64, tpu.core_type = #tpu.core_type<tc>, window_params = [{transform_indices = @transform_0, window_bounds = array<i64: 1, 2048, 128>}, {pipeline_mode = #tpu.pipeline_mode<synchronous>, transform_indices = @transform_1, window_bounds = array<i64: 2048, 128>}, {transform_indices = @transform_2, window_bounds = array<i64: 1, 1, 2048>}, {pipeline_mode = #tpu.pipeline_mode<synchronous>, transform_indices = @transform_3, window_bounds = array<i64: 2, 128>}, {pipeline_mode = #tpu.pipeline_mode<synchronous>, transform_indices = @transform_4, window_bounds = array<i64: 128, 1024>}, {pipeline_mode = #tpu.pipeline_mode<synchronous>, transform_indices = @transform_5, window_bounds = array<i64: 1, 1024>}, {pipeline_mode = #tpu.pipeline_mode<synchronous>, transform_indices = @transform_6, window_bounds = array<i64: 1, 1024>}, {pipeline_mode = #tpu.pipeline_mode<synchronous>, transform_indices = @transform_7, window_bounds = array<i64: 1, 1024>}, {transform_indices = @transform_8, window_bounds = array<i64: 1, 2048, 1024>}]} {
    %get3A = arith.constant 0 : index
    %get3A_0 = arith.constant 0 : index
    %get3A_1 = vector.load %arg5[%get3A, %get3A_0] : memref<2x128xf32, #tpu.memory_space<vmem>>, vector<2x128xf32>
    %get3A_2 = arith.constant 0 : index
    %get3A_3 = arith.constant 0 : index
    %get3A_4 = arith.constant 0 : index
    %get3A_5 = vector.load %arg4[%get3A_2, %get3A_3, %get3A_4] : memref<1x1x2048xi32, #tpu.memory_space<vmem>>, vector<1x1x2048xi32>
    %get3A_6 = vector.shape_cast %get3A_5 : vector<1x1x2048xi32> to vector<2048xi32>
    %convert_element_type3A = arith.sitofp %get3A_6 : vector<2048xi32> to vector<2048xf32>
    %broadcast_in_dim3A = vector.shape_cast %convert_element_type3A : vector<2048xf32> to vector<2048x1xf32>
    %slice3A = vector.extract_strided_slice %get3A_1 {offsets = [0, 0], sizes = [1, 128], strides = [1, 1]} : vector<2x128xf32> to vector<1x128xf32>
    %slice3A_7 = vector.extract_strided_slice %get3A_1 {offsets = [1, 0], sizes = [1, 128], strides = [1, 1]} : vector<2x128xf32> to vector<1x128xf32>
    %slice3A_8 = vector.extract_strided_slice %get3A_1 {offsets = [0, 0], sizes = [1, 128], strides = [1, 1]} : vector<2x128xf32> to vector<1x128xf32>
    %sub3A = arith.subf %slice3A_7, %slice3A_8 : vector<1x128xf32>
    %mul3A = vector.broadcast %broadcast_in_dim3A : vector<2048x1xf32> to vector<2048x128xf32>
    %mul3A_9 = vector.broadcast %sub3A : vector<1x128xf32> to vector<2048x128xf32>
    %mul3A_10 = arith.mulf %mul3A, %mul3A_9 : vector<2048x128xf32>
    %add3A = vector.broadcast %slice3A : vector<1x128xf32> to vector<2048x128xf32>
    %add3A_11 = arith.addf %add3A, %mul3A_10 : vector<2048x128xf32>
    %mul3A_12 = arith.constant 2048 : i32
    %mul3A_13 = arith.muli %arg1, %mul3A_12 : i32
    %get3A_14 = arith.index_cast %mul3A_13 : i32 to index
    %get3A_15 = arith.constant 0 : index
    %get3A_16 = vector.load %arg3[%get3A_14, %get3A_15] : memref<2048x128xf32, #tpu.memory_space<vmem>>, vector<2048x128xf32>
    %get3A_17 = arith.constant 0 : index
    %get3A_18 = arith.constant 0 : index
    %get3A_19 = arith.constant 0 : index
    %get3A_20 = vector.load %arg2[%get3A_17, %get3A_18, %get3A_19] : memref<1x2048x128xf32, #tpu.memory_space<vmem>>, vector<1x2048x128xf32>
    %get3A_21 = vector.shape_cast %get3A_20 : vector<1x2048x128xf32> to vector<2048x128xf32>
    %add3A_22 = arith.addf %get3A_21, %get3A_16 : vector<2048x128xf32>
    %add3A_23 = arith.addf %add3A_22, %add3A_11 : vector<2048x128xf32>
    %get3A_24 = arith.constant 0 : index
    %get3A_25 = arith.constant 0 : index
    %get3A_26 = vector.load %arg6[%get3A_24, %get3A_25] : memref<128x1024xf32, #tpu.memory_space<vmem>>, vector<128x1024xf32>
    %dot_general3A = arith.constant dense<0.000000e+00> : vector<2048x1024xf32>
    %dot_general3A_27 = tpu.matmul %add3A_23, %get3A_26, %dot_general3A {dimension_numbers = #tpu.dot_dimension_numbers<[1], [0], [0], [1], [0, 0, 1, 1], [], []>, transpose_lhs_hint = false} : vector<2048x128xf32>, vector<128x1024xf32>, vector<2048x1024xf32> -> vector<2048x1024xf32>
    %get3A_28 = arith.constant 0 : index
    %get3A_29 = arith.constant 0 : index
    %get3A_30 = vector.load %arg7[%get3A_28, %get3A_29] : memref<1x1024xf32, #tpu.memory_space<vmem>>, vector<1x1024xf32>
    %add3A_31 = vector.broadcast %get3A_30 : vector<1x1024xf32> to vector<2048x1024xf32>
    %add3A_32 = arith.addf %dot_general3A_27, %add3A_31 : vector<2048x1024xf32>
    %reduce_sum3A = arith.constant dense<0.000000e+00> : vector<2048xf32>
    %reduce_sum3A_33 = vector.multi_reduction <add>, %add3A_32, %reduce_sum3A [1] : vector<2048x1024xf32> to vector<2048xf32>
    %broadcast_in_dim3A_34 = vector.shape_cast %reduce_sum3A_33 : vector<2048xf32> to vector<2048x1xf32>
    %div3A = arith.constant 1.024000e+03 : f32
    %div3A_35 = vector.broadcast %div3A : f32 to vector<2048x1xf32>
    %div3A_36 = arith.divf %broadcast_in_dim3A_34, %div3A_35 : vector<2048x1xf32>
    %sub3A_37 = vector.broadcast %div3A_36 : vector<2048x1xf32> to vector<2048x1024xf32>
    %sub3A_38 = arith.subf %add3A_32, %sub3A_37 : vector<2048x1024xf32>
    %mul3A_39 = arith.mulf %sub3A_38, %sub3A_38 : vector<2048x1024xf32>
    %reduce_sum3A_40 = arith.constant dense<0.000000e+00> : vector<2048xf32>
    %reduce_sum3A_41 = vector.multi_reduction <add>, %mul3A_39, %reduce_sum3A_40 [1] : vector<2048x1024xf32> to vector<2048xf32>
    %broadcast_in_dim3A_42 = vector.shape_cast %reduce_sum3A_41 : vector<2048xf32> to vector<2048x1xf32>
    %div3A_43 = arith.constant 1.024000e+03 : f32
    %div3A_44 = vector.broadcast %div3A_43 : f32 to vector<2048x1xf32>
    %div3A_45 = arith.divf %broadcast_in_dim3A_42, %div3A_44 : vector<2048x1xf32>
    %add3A_46 = arith.constant 9.99999974E-6 : f32
    %add3A_47 = vector.broadcast %add3A_46 : f32 to vector<2048x1xf32>
    %add3A_48 = arith.addf %div3A_45, %add3A_47 : vector<2048x1xf32>
    %rsqrt3A = math.rsqrt %add3A_48 : vector<2048x1xf32>
    %mul3A_49 = vector.broadcast %rsqrt3A : vector<2048x1xf32> to vector<2048x1024xf32>
    %mul3A_50 = arith.mulf %sub3A_38, %mul3A_49 : vector<2048x1024xf32>
    %get3A_51 = arith.constant 0 : index
    %get3A_52 = arith.constant 0 : index
    %get3A_53 = vector.load %arg8[%get3A_51, %get3A_52] : memref<1x1024xf32, #tpu.memory_space<vmem>>, vector<1x1024xf32>
    %mul3A_54 = vector.broadcast %get3A_53 : vector<1x1024xf32> to vector<2048x1024xf32>
    %mul3A_55 = arith.mulf %mul3A_50, %mul3A_54 : vector<2048x1024xf32>
    %get3A_56 = arith.constant 0 : index
    %get3A_57 = arith.constant 0 : index
    %get3A_58 = vector.load %arg9[%get3A_56, %get3A_57] : memref<1x1024xf32, #tpu.memory_space<vmem>>, vector<1x1024xf32>
    %add3A_59 = vector.broadcast %get3A_58 : vector<1x1024xf32> to vector<2048x1024xf32>
    %add3A_60 = arith.addf %mul3A_55, %add3A_59 : vector<2048x1024xf32>
    %swap3A = arith.constant 0 : index
    %swap3A_61 = arith.constant 0 : index
    %swap3A_62 = arith.constant 0 : index
    %swap3A_63 = vector.load %arg10[%swap3A, %swap3A_61, %swap3A_62] : memref<1x2048x1024xf32, #tpu.memory_space<vmem>>, vector<1x2048x1024xf32>
    %swap3A_64 = vector.shape_cast %swap3A_63 : vector<1x2048x1024xf32> to vector<2048x1024xf32>
    %swap3A_65 = vector.shape_cast %add3A_60 : vector<2048x1024xf32> to vector<1x2048x1024xf32>
    tpu.vector_store %arg10[%swap3A, %swap3A_61, %swap3A_62], %swap3A_65 {strides = array<i32>} : memref<1x2048x1024xf32, #tpu.memory_space<vmem>>, vector<1x2048x1024xf32>,
    return
  }
  func.func @transform_0(%arg0: i32, %arg1: i32) -> (i32, i32, i32) {
    %c0_i32 = arith.constant 0 : i32
    %c0_i32_0 = arith.constant 0 : i32
    return %arg0, %arg1, %c0_i32 : i32, i32, i32
  }
  func.func @transform_1(%arg0: i32, %arg1: i32) -> (i32, i32) {
    %c0_i32 = arith.constant 0 : i32
    %c0_i32_0 = arith.constant 0 : i32
    %c0_i32_1 = arith.constant 0 : i32
    return %c0_i32, %c0_i32_0 : i32, i32
  }
  func.func @transform_2(%arg0: i32, %arg1: i32) -> (i32, i32, i32) {
    %c0_i32 = arith.constant 0 : i32
    %c0_i32_0 = arith.constant 0 : i32
    return %arg0, %c0_i32, %arg1 : i32, i32, i32
  }
  func.func @transform_3(%arg0: i32, %arg1: i32) -> (i32, i32) {
    %c0_i32 = arith.constant 0 : i32
    %c0_i32_0 = arith.constant 0 : i32
    %c0_i32_1 = arith.constant 0 : i32
    return %c0_i32, %c0_i32_0 : i32, i32
  }
  func.func @transform_4(%arg0: i32, %arg1: i32) -> (i32, i32) {
    %c0_i32 = arith.constant 0 : i32
    %c0_i32_0 = arith.constant 0 : i32
    %c0_i32_1 = arith.constant 0 : i32
    return %c0_i32, %c0_i32_0 : i32, i32
  }
  func.func @transform_5(%arg0: i32, %arg1: i32) -> (i32, i32) {
    %c0_i32 = arith.constant 0 : i32
    %c0_i32_0 = arith.constant 0 : i32
    %c0_i32_1 = arith.constant 0 : i32
    return %c0_i32, %c0_i32_0 : i32, i32
  }
  func.func @transform_6(%arg0: i32, %arg1: i32) -> (i32, i32) {
    %c0_i32 = arith.constant 0 : i32
    %c0_i32_0 = arith.constant 0 : i32
    %c0_i32_1 = arith.constant 0 : i32
    return %c0_i32, %c0_i32_0 : i32, i32
  }
  func.func @transform_7(%arg0: i32, %arg1: i32) -> (i32, i32) {
    %c0_i32 = arith.constant 0 : i32
    %c0_i32_0 = arith.constant 0 : i32
    %c0_i32_1 = arith.constant 0 : i32
    return %c0_i32, %c0_i32_0 : i32, i32
  }
  func.func @transform_8(%arg0: i32, %arg1: i32) -> (i32, i32, i32) {
    %c0_i32 = arith.constant 0 : i32
    %c0_i32_0 = arith.constant 0 : i32
    return %arg0, %arg1, %c0_i32 : i32, i32, i32
  }
}

</mosaic_0001>

<sc_bundles>
// kernel: kernel.4.cloned.1.call-start
scs
__scs_entry_jumppad:
0x0: {  	(pc) =	sbr.rel $0x88, $3  }
0x1: {  	(tag) =	ssettag $0x0;
	lr =	simm.s32 $0x1  }
0x2: {  	[smem:$0x3F98] =	sst lr;
	_ =	strace $0xD0000000  }
0x3: {  	_ = 	snop  }
0x4: {  	_ = 	snop  }
0x5: {  	_ = 	snop  }
0x6: {  	_ = 	snop  }
0x7: {  	_ = 	snop  }
__scs_overlays_trampoline_lowered:
0x8: {  	[smem:$0x3FA7] =	sst s0  }
0x9: {  	[smem:$0x3FA8] =	sst s1  }
0xa: {  	[smem:$0x3FA9] =	sst s2  }
0xb: {  	[smem:$0x3FAA] =	sst s3  }
0xc: {  	[smem:$0x3FAB] =	sst s4  }
0xd: {  	[smem:$0x3FAC] =	sst s5  }
0xe: {  	[smem:$0x3FAD] =	sst s6  }
0xf: {  	[smem:$0x3FAE] =	sst s7  }
0x10: {  	[smem:$0x3FAF] =	sst s8  }
0x11: {  	[smem:$0x3FB0] =	sst s9;
	s0 =	simm.s32 @!p0 $0x0  }
0x12: {  	s1 =	sld [smem:$0x3F96];
	s0 =	simm.s32 @p0 $0x1  }
0x13: {  	[smem:$0x3FB1] =	sst s0;
	s0 =	simm.s32 @!p1 $0x0  }
0x14: {  	s2 =	sld [smem:$0x3F95];
	s0 =	simm.s32 @p1 $0x1  }
0x15: {  	[smem:$0x3FB2] =	sst s0;
	s0 =	simm.s32 @!p2 $0x0  }
0x16: {  	s3 =	sld [smem:$0x3FDB];
	s0 =	simm.s32 @p2 $0x1  }
0x17: {  	s4 =	simm.s32 $0x1BF5;
	[smem:$0x3FB4] =	sst s0  }
0x18: {  	s0 =	sld [smem:$0x3F97];
	_ =	swait.ge [sflag:s4], $0x0  }
0x19: {  	s7 =	sld [smem:$0x3F98]  }
0x1a: {  	s8 =	sadd.s32 $0xFFFFE003, lr  }
0x1b: {  	s9 =	sadd.s32 $0xFFFFFEF7, lr;
	s5 =	simm.s32 $0xFFFFFFFF;
	p2 =	slt.u32 s8, $0xFFFFF086  }
0x1c: {  	p1 =	slt.u32 s9, $0xF7A;
	s5 =	simm.s32 @!p2 $0x0  }
0x1d: {  	s5 =	simm.s32 @p1 $0x1;
	p0 =	seq.s32 s7, s2  }
0x1e: {  	s7 =	smul.u32 @!p0 $0xF7A, s2;
	p2 =	seq.s32 @!p0 s5, $0x0  }
0x1f: {  	s9 =	smul.u32 $0xF7A, s1;
	s8 =	simm.s32 @!p0 $0x1BF5;
	p2 =	por !p2, p0  }
0x20: {  	[sflag:s8] =	ssyncset.s32 @!p0 $0xFFFFF086;
	s6 =	sadd.s32 @!p0 s3, s7;
	s7 =	simm.s32 @!p0 $0x108  }
0x21: {  	s3 =	sadd.s32 s3, s9;
	s6 =	sadd.s32 @!p0 $0x88, s6;
	s7 =	simm.s32 @p2 $0x1082  }
0x22: {  	[simem:s7], [sflag:s8] =	dma.local @!p0 [hbm:s6], $0xF7A  }
0x23: {  	s9 =	sor.u32 $0xD0000000, s2;
	s6 =	simm.s32 $0x108;
	_ =	swait.ge @!p0 [sflag:s8], $0x0  }
0x24: {  	s3 =	sadd.s32 $0x88, s3;
	s6 =	simm.s32 @!p1 $0x1082;
	[sflag:s4] =	ssyncset.s32 $0xFFFFF086  }
0x25: {  	[simem:s6], [sflag:s4] =	dma.local [hbm:s3], $0xF7A  }
0x26: {  	[smem:$0x3F98] =	sst s1;
	(tag) =	ssettag s2;
	_ =	strace s9  }
0x27: {  	s1 =	sld [smem:$0x3FA8]  }
0x28: {  	s2 =	sld [smem:$0x3FA9]  }
0x29: {  	s4 =	sld [smem:$0x3FAB]  }
0x2a: {  	p0 =	seq.s32 s5, $0x0;
	s5 =	sld [smem:$0x3FAC]  }
0x2b: {  	s6 =	sld [smem:$0x3FAD]  }
0x2c: {  	s7 =	sld [smem:$0x3FAE]  }
0x2d: {  	s3 =	simm.s32 $0x108;
	s8 =	sld [smem:$0x3FAF]  }
0x2e: {  	s3 =	simm.s32 @!p0 $0x1082;
	s9 =	sld [smem:$0x3FB0]  }
0x2f: {  	lr =	sadd.s32 s0, s3;
	s0 =	sld [smem:$0x3FA7]  }
0x30: {  	s3 =	sld [smem:$0x3FAA]  }
0x31: {  	[smem:$0x3FB3] =	sst s10  }
0x32: {  	s10 =	sld [smem:$0x3FB1];
	_ =	sdelay $0x3  }
0x33: {  	p0 =	seq.s32 s10, $0x1;
	s10 =	sld [smem:$0x3FB3];
	_ =	sdelay $0x3  }
0x34: {  	[smem:$0x3FB3] =	sst s10  }
0x35: {  	s10 =	sld [smem:$0x3FB2];
	_ =	sdelay $0x3  }
0x36: {  	p1 =	seq.s32 s10, $0x1;
	s10 =	sld [smem:$0x3FB3];
	_ =	sdelay $0x3  }
0x37: {  	[smem:$0x3FB3] =	sst s10  }
0x38: {  	s10 =	sld [smem:$0x3FB4]  }
0x39: {  	_ = 	snop;
	(pc) =	sbr.ind lr, $3  }
0x3a: {  	_ = 	snop  }
0x3b: {  	_ = 	snop  }
0x3c: {  	p2 =	seq.s32 s10, $0x1;
	s10 =	sld [smem:$0x3FB3]  }
0x3d: {  	_ =	shalt  }
0x3e: {  	_ =	shalt  }
0x3f: {  	_ =	shalt  }
0x40: {  	_ =	shalt  }
0x41: {  	_ =	shalt  }
0x42: {  	_ =	shalt  }
0x43: {  	_ =	shalt  }
0x44: {  	_ =	shalt  }
0x45: {  	_ =	shalt  }
0x46: {  	_ =	shalt  }
0x47: {  	_ =	shalt  }
0x48: {  	_ =	shalt  }
0x49: {  	_ =	shalt  }
0x4a: {  	_ =	shalt  }
0x4b: {  	_ =	shalt  }
0x4c: {  	_ =	shalt  }
0x4d: {  	_ =	shalt  }
0x4e: {  	_ =	shalt  }
0x4f: {  	_ =	shalt  }
0x50: {  	_ =	shalt  }
0x51: {  	_ =	shalt  }
0x52: {  	_ =	shalt  }
0x53: {  	_ =	shalt  }
0x54: {  	_ =	shalt  }
0x55: {  	_ =	shalt  }
0x56: {  	_ =	shalt  }
0x57: {  	_ =	shalt  }
0x58: {  	_ =	shalt  }
0x59: {  	_ =	shalt  }
0x5a: {  	_ =	shalt  }
0x5b: {  	_ =	shalt  }
0x5c: {  	_ =	shalt  }
0x5d: {  	_ =	shalt  }
0x5e: {  	_ =	shalt  }
0x5f: {  	_ =	shalt  }
0x60: {  	_ =	shalt  }
0x61: {  	_ =	shalt  }
0x62: {  	_ =	shalt  }
0x63: {  	_ =	shalt  }
0x64: {  	_ =	shalt  }
0x65: {  	_ =	shalt  }
0x66: {  	_ =	shalt  }
0x67: {  	_ =	shalt  }
0x68: {  	_ =	shalt  }
0x69: {  	_ =	shalt  }
0x6a: {  	_ =	shalt  }
0x6b: {  	_ =	shalt  }
0x6c: {  	_ =	shalt  }
0x6d: {  	_ =	shalt  }
0x6e: {  	_ =	shalt  }
0x6f: {  	_ =	shalt  }
0x70: {  	_ =	shalt  }
0x71: {  	_ =	shalt  }
0x72: {  	_ =	shalt  }
0x73: {  	_ =	shalt  }
0x74: {  	_ =	shalt  }
0x75: {  	_ =	shalt  }
0x76: {  	_ =	shalt  }
0x77: {  	_ =	shalt  }
0x78: {  	_ =	shalt  }
0x79: {  	_ =	shalt  }
0x7a: {  	_ =	shalt  }
0x7b: {  	_ =	shalt  }
0x7c: {  	_ =	shalt  }
0x7d: {  	_ =	shalt  }
0x7e: {  	_ =	shalt  }
0x7f: {  	_ =	shalt  }
0x80: {  	_ =	shalt  }
0x81: {  	_ =	shalt  }
0x82: {  	_ =	shalt  }
0x83: {  	_ =	shalt  }
0x84: {  	_ =	shalt  }
0x85: {  	_ =	shalt  }
0x86: {  	_ =	shalt  }
0x87: {  	_ =	shalt  }
.Lfunc_end0:
.L_simem_size_0:
called_computation_lowered:
.L_overlay_start_0:
0x88: {  	s2 =	sld [smem:$0x3FD9]  }
0x89: {  	s3 =	sld [smem:$0x3FFE];
	_ =	sdelay $0x1  }
0x8a: {  	s1 =	srdreg.scid  }
0x8b: {  	s0 =	sand.u32 $0x1, s1  }
0x8c: {  	s18 =	sshll.u32 s0, $0xA;
	s2 =	sadd.s32 s3, s2  }
0x8d: {  	s2 =	sadd.s32 s2, s18  }
0x8e: {  	[smem:$0x3FBF] =	sst s2  }
0x8f: {  	_ = 	snop  }
0x90: {  	s2 =	sld [smem:$0x3FC9]  }
0x91: {  	s19 =	sld [smem:$0x3FC7]  }
0x92: {  	s4 =	sld [smem:$0x3FD0];
	(tm) =	ssettm $0x1  }
0x93: {  	s5 =	sld [smem:$0x3FFB];
	_ =	sdelay $0x3  }
0x94: {  	_ =	strace s5  }
0x95: {  	s5 =	sld [smem:$0x3FFC];
	_ =	sdelay $0x3  }
0x96: {  	_ =	strace s5  }
0x97: {  	s5 =	sld [smem:$0x3FFD];
	_ =	sdelay $0x3  }
0x98: {  	_ =	strace s5  }
0x99: {  	_ =	strace $0x8FFFFFFF  }
0x9a: {  	s20 =	sld [smem:$0x3FDB];
	_ =	sdelay $0x1  }
0x9b: {  	s6 =	simm.s32 $_scs_section_size  }
0x9c: {  	s7 =	simm.s32 $_size__tile_overlayer_lowered;
	s8 =	simm.s32 $_tile_overlayer_lowered  }
0x9d: {  	s23 =	simm.s32 $0x1BFF;
	s22 =	sshll.u32 s8, $0x1;
	s5 =	sadd.s32 s6, s20  }
0x9e: {  	s9 =	simm.s32 $0x0;
	s21 =	sshll.u32 s7, $0x1;
	s7 =	sadd.s32 s22, s5  }
0x9f: {  	[timem:s9], [sflag:s23] =	dma.local [hbm:s7], s21  }
0xa0: {  	_ =	swait.ge [sflag:s23], s21  }
0xa1: {  	s6 =	ssub.s32 $0x0, s21;
	[sflag:s23] =	ssyncset.done $0x0  }
0xa2: {  	[sflag:s23] =	ssyncadd.s32 s6;
	_ =	sdelay $0x1  }
0xa3: {  	s24 =	simm.s32 $0x1B8B  }
0xa4: {  	_ =	swait.ge [sflag:s24], $0x1  }
0xa5: {  	[sflag:s24] =	ssyncset.done $0x0  }
0xa6: {  	s25 =	simm.s32 $0x1B8E;
	[sflag:s24] =	ssyncadd.s32 $0xFFFFFFFF  }
0xa7: {  	s26 =	simm.s32 $execute0_lowered;
	[smem:$0x3FD2] =	sst s25  }
0xa8: {  	s6 =	sshll.u32 s26, $0x1;
	_ =	strace $0x80000046;
	[dreg:$0x1] =	wrdreg $0xFFFFFFFF  }
0xa9: {  	s28 =	simm.s32 $_size_execute0_lowered;
	s5 =	sadd.s32 s5, s6;
	[dreg:$0x0] =	wrdreg $0x0  }
0xaa: {  	s6 =	sshll.u32 s28, $0x1;
	[dreg:$0x2] =	wrdreg s5  }
0xab: {  	[dreg:$0x3] =	wrdreg s6  }
0xac: {  	[dreg:$0x4] =	wrdreg $0xC0  }
0xad: {  	_ =	task [dreg:s9], $0x5FFFF  }
0xae: {  	[dreg:$0x1] =	wrdreg $0xFFFFFFFF  }
0xaf: {  	[dreg:$0x0] =	wrdreg $0x60  }
0xb0: {  	[dreg:$0x2] =	wrdreg s2  }
0xb1: {  	[dreg:$0x3] =	wrdreg s19  }
0xb2: {  	[dreg:$0x4] =	wrdreg s4  }
0xb3: {  	[dreg:$0x5] =	wrdreg $0x9  }
0xb4: {  	_ =	task.clear_ibuf [dreg:s9], $0x6FFFF;
	_ =	strace $0x90000046  }
0xb5: {  	s29 =	simm.s32 $0x9;
	_ =	strace $0x80000048  }
0xb6: {  	_ =	swait.ge [sflag:s29], $0x1  }
0xb7: {  	[sflag:s29] =	ssyncadd.s32 $0xFFFFFFFF  }
0xb8: {  	_ =	strace $0x90000048  }
0xb9: {  	_ =	sfence  }
0xba: {  	s30 =	sld [smem:$0x0];
	_ =	sdelay $0x2  }
0xbb: {  	s31 =	sshll.u32 s1, $0xD;
	s1 =	sshrl.u32 s1, $0x2  }
0xbc: {  	s3 =	sand.u32 $0x4000, s31;
	s1 =	sadd.s32 s1, s30  }
0xbd: {  	s0 =	sor.u32 s3, s0;
	s1 =	sshll.u32 s1, $0x11  }
0xbe: {  	s0 =	sor.u32 s1, s0  }
0xbf: {  	s0 =	sadd.s32 $0x8F2B, s0  }
0xc0: {  	[sflag:s0] =	ssyncadd.remote.s32 $0x1  }
0xc1: {  	_ =	sfence.sel $0xFFFF  }
0xc2: {  	[dreg:$0x0] =	wrdreg $0xFFFFFFFF;
	(pc) =	sbr.abs _section_cstart, $3  }
0xc3: {  	[dreg:$0x1] =	wrdreg $0xFFFFFFFF  }
0xc4: {  	_ =	task.clear_ibuf [dreg:s9], $0x2FFFF;
	_ =	strace $0x9FFFFFFF  }
0xc5: {  	(tm) =	ssettm $0x7FFFFFFF  }
tec
execute0_lowered:
.L_overlay_start_1:
0x0: {  	(tag) =	ssettag $0x1  }
0x1: {  	s1 =	srdreg.scid;
	s0 =	stileid.u32  }
0x2: {  	s12 =	sand.u32 $0x1, s1;
	s31 =	sshll.u32 s0, $0x1  }
0x3: {  	s4 =	rddreg [dreg:$0x0];
	s11 =	sor.u32 s12, s31  }
0x4: {  	s2 =	rddreg [dreg:$0x1];
	s6 =	sshll.u32 s0, $0x2;
	s5 =	sshll.u32 s11, $0x7  }
0x5: {  	s13 =	rddreg [dreg:$0x2];
	s3 =	simm.s32 $0x0;
	s5 =	sor.u32 s6, s5  }
0x6: {  	[smem:$0x7FF] =	sst s3;
	s5 =	sand.u32 $0x3B0, s5  }
0x7: {  	s1 =	rddreg [dreg:$0x3];
	_ =	strace $0x80000047;
	s4 =	sadd.s32 s4, s5  }
0x8: {  	[tilespmem:s3], [sflag:$0x1] =	stream.linear.gather [hbm4b:s4+s3], $0x80, $0x38;
	[tilespmem:$0x8100] =	vst v63  }
0x9: {  	s7 =	simm.s32 $0x1;
	s6 =	simm.s32 $0x80;
	s5 =	sadd.s32 $0x40, s4  }
0xa: {  	[tilespmem:s6], [sflag:$0x1] =	stream.linear.gather [hbm4b:s5+s3], $0x80, $0x38;
	[tilespmem:$0x8100] =	vst v63  }
0xb: {  	_ =	swait.ge [sflag:s7], $0x80  }
0xc: {  	[sflag:s7] =	ssyncset.done $0x0  }
0xd: {  	s8 =	simm.s32 $0x100;
	[sflag:s7] =	ssyncadd.s32 $0xFFFFFF80  }
0xe: {  	[tilespmem:s8], [sflag:$0x2] =	stream.indirect.gather [hbm4b:s2+s6], $0x80, s3, s6, $0xb8;
	[tilespmem:$0x8100] =	vst v63  }
0xf: {  	_ =	swait.ge [sflag:s7], $0x80  }
0x10: {  	[sflag:s7] =	ssyncset.done $0x0  }
0x11: {  	s9 =	simm.s32 $0x4100;
	s10 =	simm.s32 $0x2;
	[sflag:s7] =	ssyncadd.s32 $0xFFFFFF80  }
0x12: {  	[tilespmem:s9], [sflag:$0x2] =	stream.indirect.gather [hbm4b:s2+s6], $0x80, s6, s6, $0xb8;
	[tilespmem:$0x8100] =	vst v63  }
0x13: {  	_ =	swait.ge [sflag:s10], $0x4000  }
0x14: {  	s14 =	ssub.s32 $0x2, s12;
	s11 =	sshll.u32 s11, $0xC;
	[sflag:s10] =	ssyncset.done $0x0  }
0x15: {  	s15 =	sshrl.u32 s14, $0x1;
	s11 =	sadd.s32 s13, s11;
	[sflag:s10] =	ssyncadd.s32 $0xFFFFC000  }
0x16: {  	[hbm4b:s11+s3] =	stream.linear.scatter [tilespmem:s8], [sflag:$0x3], $0x4000, $0x38;
	[tilespmem:$0x8100] =	vst v63  }
0x17: {  	s14 =	ssub.s32 s14, s15;
	_ =	swait.ge [sflag:s10], $0x4000  }
0x18: {  	s12 =	simm.s32 $0x3;
	s14 =	smax.u32 s14, $0x1;
	[sflag:s10] =	ssyncset.done $0x0  }
0x19: {  	s13 =	sadd.s32 $0x800, s11;
	p0 =	sne.s32 s14, $0x1;
	[sflag:s10] =	ssyncadd.s32 $0xFFFFC000  }
0x1a: {  	[hbm4b:s13+s3] =	stream.linear.scatter [tilespmem:s9], [sflag:$0x3], $0x4000, $0x38;
	[tilespmem:$0x8100] =	vst v63  }
.Ltmp0:
0x1b: {  	_ =	swait.ge [sflag:s12], $0x4000;
	(pc) =	sbr.rel @!p0 .LBB2_2-.Ltmp0, $4  }
0x1c: {  	[sflag:s12] =	ssyncset.done $0x0  }
0x1d: {  	[sflag:s12] =	ssyncadd.s32 $0xFFFFC000  }
0x1e: {  	_ =	swait.ge [sflag:s12], $0x4000  }
0x1f: {  	s14 =	sadd.s32 $0xFFFFFFFF, s14;
	[sflag:s12] =	ssyncset.done $0x0  }
.LBB2_1:
0x20: {  	p0 =	sne.s32 s14, $0x1;
	s14 =	sadd.s32 $0xFFFFFFFF, s14;
	[sflag:s12] =	ssyncadd.s32 $0xFFFFC000  }
0x21: {  	[tilespmem:s3], [sflag:$0x1] =	stream.linear.gather [hbm4b:s4+s3], $0x80, $0x38;
	[tilespmem:$0x8100] =	vst v63  }
0x22: {  	_ = 	snop  }
0x23: {  	[tilespmem:s6], [sflag:$0x1] =	stream.linear.gather [hbm4b:s5+s3], $0x80, $0x38;
	[tilespmem:$0x8100] =	vst v63  }
0x24: {  	_ =	swait.ge [sflag:s7], $0x80  }
0x25: {  	[sflag:s7] =	ssyncset.done $0x0  }
0x26: {  	[sflag:s7] =	ssyncadd.s32 $0xFFFFFF80  }
0x27: {  	[tilespmem:s8], [sflag:$0x2] =	stream.indirect.gather [hbm4b:s2+s6], $0x80, s3, s6, $0xb8;
	[tilespmem:$0x8100] =	vst v63  }
0x28: {  	_ =	swait.ge [sflag:s7], $0x80  }
0x29: {  	[sflag:s7] =	ssyncset.done $0x0  }
0x2a: {  	[sflag:s7] =	ssyncadd.s32 $0xFFFFFF80  }
0x2b: {  	[tilespmem:s9], [sflag:$0x2] =	stream.indirect.gather [hbm4b:s2+s6], $0x80, s6, s6, $0xb8;
	[tilespmem:$0x8100] =	vst v63  }
0x2c: {  	_ =	swait.ge [sflag:s10], $0x4000  }
0x2d: {  	[sflag:s10] =	ssyncset.done $0x0  }
0x2e: {  	[sflag:s10] =	ssyncadd.s32 $0xFFFFC000  }
0x2f: {  	[hbm4b:s11+s3] =	stream.linear.scatter [tilespmem:s8], [sflag:$0x3], $0x4000, $0x38;
	[tilespmem:$0x8100] =	vst v63  }
0x30: {  	_ =	swait.ge [sflag:s10], $0x4000  }
0x31: {  	[sflag:s10] =	ssyncset.done $0x0  }
0x32: {  	[sflag:s10] =	ssyncadd.s32 $0xFFFFC000  }
0x33: {  	[hbm4b:s13+s3] =	stream.linear.scatter [tilespmem:s9], [sflag:$0x3], $0x4000, $0x38;
	[tilespmem:$0x8100] =	vst v63  }
.Ltmp1:
0x34: {  	_ =	swait.ge [sflag:s12], $0x4000;
	(pc) =	sbr.rel @p0 .LBB2_1-.Ltmp1, $4  }
0x35: {  	[sflag:s12] =	ssyncset.done $0x0  }
0x36: {  	[sflag:s12] =	ssyncadd.s32 $0xFFFFC000  }
0x37: {  	_ =	swait.ge [sflag:s12], $0x4000  }
0x38: {  	[sflag:s12] =	ssyncset.done $0x0  }
.LBB2_2:
0x39: {  	[sflag:s12] =	ssyncadd.s32 $0xFFFFC000  }
0x3a: {  	_ =	sfence.sel $0x180000  }
0x3b: {  	[bflag:$0x0] =	sbarrier.arrive $0xFFFF  }
0x3c: {  	p0 =	sne.s32 s0, $0x0;
	_ =	strace $0x90000047  }
0x3d: {  	s0 =	sadd.s32 @!p0 $0x100000, s1;
	[bflag:$0x2] =	sbarrier.arrive $0xFFFF  }
0x3e: {  	[sflag:s0] =	ssyncadd.tile.s32 @!p0 $0x1;
	_ =	shalt  }
.Lfunc_end2:
_tile_overlayer_lowered:
.L_overlay_start_2:
0x3f: {  	(tag) =	ssettag $0x2  }
0x40: {  	s0 =	rddreg [dreg:$0x0];
	s2 =	stileid.u32  }
0x41: {  	s1 =	rddreg [dreg:$0x1];
	p0 =	sne.s32 s2, $0x0  }
0x42: {  	s3 =	rddreg [dreg:$0x2];
	[bflag:$0x3] =	sbarrier.arrive $0xFFFF;
	s2 =	simm.s32 @!p0 $0x1C04  }
0x43: {  	[timem:s3], [sflag:s2] =	dma.local @!p0 [hbm:s0], s1  }
0x44: {  	s0 =	simm.s32 @!p0 $0x4  }
0x45: {  	_ =	swait.ge @!p0 [sflag:s0], s1  }
0x46: {  	s1 =	ssub.s32 @!p0 $0x0, s1;
	[sflag:s0] =	ssyncset.done @!p0 $0x0  }
0x47: {  	[sflag:s0] =	ssyncadd.s32 @!p0 s1  }
0x48: {  	[bflag:$0x3] =	sbarrier.arrive $0xFFFF  }
0x49: {  	_ =	shalt  }

</sc_bundles>
